<compile_context>
chip_gen: v7x
topology: tpu7x:2x2x1
jax: 0.10.2.dev20260603
libtpu: 0.0.44.dev20260713+nightly
codegen_flags: <defaults>
</compile_context>

<pallas_src>
import dataclasses
import functools
import math

import jax
import jax.numpy as jnp
from jax import lax
from jax.experimental import pallas as pl
from jax.experimental.pallas import tpu as pltpu
from jax.experimental.pallas import tpu_sc as plsc

H = 128
TEMP = 0.5

NC = 2
NS = 16
NW = NC * NS
CE = 64
CEA = 32


def _sc_compiler_params():
    cp = pltpu.CompilerParams()
    if "needs_layout_passes" in pltpu.CompilerParams.__dataclass_fields__:
        cp = dataclasses.replace(cp, needs_layout_passes=False)
    return cp


def _ceil_to(n, q):
    return ((n + q - 1) // q) * q



@functools.partial(jax.jit, static_argnames=("chunk",))
def _sc_gather(table, idx, chunk):
    B = idx.shape[0]
    D = table.shape[1]
    rows = B // chunk
    per_tile = rows // NW
    mesh = plsc.VectorSubcoreMesh(core_axis_name="c", subcore_axis_name="s")

    @functools.partial(
        pl.kernel,
        mesh=mesh,
        out_type=jax.ShapeDtypeStruct((B, D), jnp.float32),
        scratch_types=[
            pltpu.VMEM((1, chunk), jnp.int32),
            pltpu.VMEM((chunk, D), jnp.float32),
            pltpu.SemaphoreType.DMA,
        ],
        compiler_params=_sc_compiler_params(),
    )
    def k(table_hbm, idx_hbm, out_hbm, idx_v, rows_v, sem):
        wid = lax.axis_index("c") * NS + lax.axis_index("s")

        @pl.loop(0, per_tile)
        def _(j):
            r = wid * per_tile + j
            pltpu.sync_copy(idx_hbm.at[pl.ds(r * chunk, chunk)], idx_v.at[0])
            pltpu.async_copy(table_hbm.at[idx_v.at[0]], rows_v, sem).wait()
            pltpu.sync_copy(rows_v, out_hbm.at[pl.ds(r * chunk, chunk)])

    return k(table, idx)


def _gather_rows(table, idx, n_out):
    B = idx.shape[0]
    chunk = 128 if B % (NW * 128) == 0 else 80
    B_pad = _ceil_to(B, NW * chunk)
    idx_p = jnp.pad(idx.astype(jnp.int32), (0, B_pad - B))
    return _sc_gather(table, idx_p, chunk)[:n_out]



@functools.partial(jax.jit, static_argnames=("n_acc", "n_den"))
def _sc_edge_agg(krel, q_pad, vrel, si1, di1, n_acc, n_den):
    per_tile = si1.shape[0] // (NW * CEA)
    stripe = n_acc // NS
    mesh = plsc.VectorSubcoreMesh(core_axis_name="c", subcore_axis_name="s")

    @functools.partial(
        pl.kernel,
        mesh=mesh,
        out_type=(jax.ShapeDtypeStruct((2 * n_acc, H), jnp.float32),
                  jax.ShapeDtypeStruct((NW * n_den,), jnp.float32)),
        scratch_types=[
            pltpu.VMEM((2, CEA), jnp.int32),
            pltpu.VMEM((2, CEA), jnp.int32),
            pltpu.VMEM((2 * CEA, H), jnp.float32),
            pltpu.VMEM((2 * CEA, H), jnp.float32),
            pltpu.VMEM((2 * CEA, H), jnp.float32),
            pltpu.VMEM((n_den,), jnp.float32),
            pltpu.VMEM_SHARED((n_acc, H), jnp.float32),
            pltpu.SemaphoreType.DMA,
            pltpu.SemaphoreType.DMA,
            pltpu.SemaphoreType.DMA,
            pltpu.SemaphoreType.DMA,
            pltpu.SemaphoreType.DMA,
            pltpu.SemaphoreType.DMA,
            pltpu.SemaphoreType.DMA,
            pltpu.SemaphoreType.DMA,
        ],
        compiler_params=_sc_compiler_params(),
    )
    def k(krel_hbm, q_hbm, ve_hbm, si_hbm, di_hbm, out_hbm, den_hbm,
          si_v, di_v, ke_v, q_v, ve_v, den_v, acc,
          semk0, semq0, semv0, semk1, semq1, semv1, semi0, semi1):
        cid = lax.axis_index("c")
        sid = lax.axis_index("s")
        wid = cid * NS + sid
        zero16 = jnp.zeros((16,), jnp.float32)
        lanes = lax.iota(jnp.int32, 16)
        sems = ((semk0, semq0, semv0), (semk1, semq1, semv1))

        @pl.loop(0, CEA)
        def _(r):
            for kk in range(8):
                ke_v[r, pl.ds(16 * kk, 16)] = zero16

        @pl.loop(0, stripe // CEA)
        def _(i):
            pltpu.sync_copy(ke_v.at[pl.ds(0, CEA)],
                            acc.at[pl.ds(sid * stripe + i * CEA, CEA)])

        @pl.loop(0, n_den // 16)
        def _(i):
            den_v[pl.ds(16 * i, 16)] = zero16

        plsc.subcore_barrier()

        isems = (semi0, semi1)

        def start_idx(c, b):
            r = c * CEA
            return (
                pltpu.async_copy(si_hbm.at[pl.ds(r, CEA)], si_v.at[b],
                                 isems[b]),
                pltpu.async_copy(di_hbm.at[pl.ds(r, CEA)], di_v.at[b],
                                 isems[b]),
            )

        def start_gather(b):
            sl = pl.ds(b * CEA, CEA)
            return (
                pltpu.async_copy(krel_hbm.at[si_v.at[b]], ke_v.at[sl],
                                 sems[b][0]),
                pltpu.async_copy(q_hbm.at[di_v.at[b]], q_v.at[sl],
                                 sems[b][1]),
                pltpu.async_copy(ve_hbm.at[si_v.at[b]], ve_v.at[sl],
                                 sems[b][2]),
            )

        def work(b):
            base = b * CEA
            for g in range(CEA // 16):
                e16 = zero16
                for j in range(16):
                    e = base + 16 * g + j
                    acc16 = ke_v[e, pl.ds(0, 16)] * q_v[e, pl.ds(0, 16)]
                    for v in range(1, 8):
                        acc16 = acc16 + (ke_v[e, pl.ds(16 * v, 16)] *
                                         q_v[e, pl.ds(16 * v, 16)])
                    sc = jnp.sum(acc16)
                    ev = jnp.exp(lax.broadcast(sc, (16,)))
                    for kk in range(8):
                        ve_v[e, pl.ds(16 * kk, 16)] = (
                            ve_v[e, pl.ds(16 * kk, 16)] * ev)
                    msk = jnp.where(lanes == j, 1.0, 0.0)
                    e16 = e16 + ev * msk

                di16 = di_v[b, pl.ds(16 * g, 16)]
                plsc.addupdate_scatter(den_v, [di16], e16)

            pltpu.sync_copy(ve_v.at[pl.ds(base, CEA)], acc.at[di_v.at[b]],
                            add=True)

        @pl.loop(0, per_tile // 2)
        def _(i):
            c0 = (wid * per_tile) + 2 * i
            idxA = start_idx(c0, 0)
            idxB = start_idx(c0 + 1, 1)
            for cp in idxA:
                cp.wait()
            cpsA = start_gather(0)
            for cp in idxB:
                cp.wait()
            cpsB = start_gather(1)
            for cp in cpsA:
                cp.wait()
            work(0)
            for cp in cpsB:
                cp.wait()
            work(1)

        plsc.subcore_barrier()
        pltpu.sync_copy(
            acc.at[pl.ds(sid * stripe, stripe)],
            out_hbm.at[pl.ds(cid * n_acc + sid * stripe, stripe)])
        pltpu.sync_copy(den_v, den_hbm.at[pl.ds(wid * n_den, n_den)])

    return k(krel, q_pad, vrel, si1, di1)



@functools.partial(jax.jit, static_argnames=("n_den",))
def _sc_degree(di2, n_den):
    per_tile = di2.shape[0] // (NW * CE)
    mesh = plsc.VectorSubcoreMesh(core_axis_name="c", subcore_axis_name="s")

    @functools.partial(
        pl.kernel,
        mesh=mesh,
        out_type=jax.ShapeDtypeStruct((NW * n_den,), jnp.float32),
        scratch_types=[
            pltpu.VMEM((per_tile * CE,), jnp.int32),
            pltpu.VMEM((n_den,), jnp.float32),
        ],
        compiler_params=_sc_compiler_params(),
    )
    def k(di_hbm, den_hbm, di_v, den_v):
        cid = lax.axis_index("c")
        sid = lax.axis_index("s")
        wid = cid * NS + sid
        zero16 = jnp.zeros((16,), jnp.float32)
        ones16 = jnp.ones((16,), jnp.float32)

        @pl.loop(0, n_den // 16)
        def _(i):
            den_v[pl.ds(16 * i, 16)] = zero16

        pltpu.sync_copy(
            di_hbm.at[pl.ds(wid * per_tile * CE, per_tile * CE)], di_v)

        @pl.loop(0, per_tile)
        def _(c):
            for g in range(CE // 16):
                di16 = di_v[pl.ds(c * CE + 16 * g, 16)]
                plsc.addupdate_scatter(den_v, [di16], ones16)

        pltpu.sync_copy(den_v, den_hbm.at[pl.ds(wid * n_den, n_den)])

    return k(di2)



@functools.partial(jax.jit, static_argnames=("n_acc", "n_nodes_pad"))
def _sc_lgconv(cooking_table, tid_pad, dis_pad, si2, di2, n_acc, n_nodes_pad):
    per_tile = si2.shape[0] // (NW * CE)
    stripe = n_acc // NS
    mesh = plsc.VectorSubcoreMesh(core_axis_name="c", subcore_axis_name="s")

    @functools.partial(
        pl.kernel,
        mesh=mesh,
        out_type=jax.ShapeDtypeStruct((2 * n_acc, H), jnp.float32),
        scratch_types=[
            pltpu.VMEM((1, CE), jnp.int32),
            pltpu.VMEM((1, CE), jnp.int32),
            pltpu.VMEM((n_nodes_pad,), jnp.int32),
            pltpu.VMEM((n_nodes_pad,), jnp.float32),
            pltpu.VMEM((1, CE), jnp.int32),
            pltpu.VMEM((1, CE + 16), jnp.float32),
            pltpu.VMEM((CE, H), jnp.float32),
            pltpu.VMEM_SHARED((n_acc, H), jnp.float32),
            pltpu.SemaphoreType.DMA,
        ],
        compiler_params=_sc_compiler_params(),
    )
    def k(ct_hbm, tid_hbm, dis_hbm, si_hbm, di_hbm, out_hbm,
          si_v, di_v, tid_v, dis_v, cidx_v, nrm_v, x_v, acc, sem):
        cid = lax.axis_index("c")
        sid = lax.axis_index("s")
        wid = cid * NS + sid
        zero16 = jnp.zeros((16,), jnp.float32)
        e0m = jnp.where(lax.iota(jnp.int32, 16) == 0, 1.0, 0.0)
        nrm_v[0, pl.ds(CE, 16)] = zero16

        @pl.loop(0, CE)
        def _(r):
            for kk in range(8):
                x_v[r, pl.ds(16 * kk, 16)] = zero16

        @pl.loop(0, stripe // CE)
        def _(i):
            pltpu.sync_copy(x_v, acc.at[pl.ds(sid * stripe + i * CE, CE)])

        plsc.subcore_barrier()

        pltpu.sync_copy(tid_hbm, tid_v)
        pltpu.sync_copy(dis_hbm, dis_v)

        @pl.loop(0, per_tile)
        def _(c):
            r = (wid * per_tile + c) * CE
            pltpu.sync_copy(si_hbm.at[pl.ds(r, CE)], si_v.at[0])
            pltpu.sync_copy(di_hbm.at[pl.ds(r, CE)], di_v.at[0])

            for b in range(CE // 16):
                si16 = si_v[0, pl.ds(16 * b, 16)]
                di16 = di_v[0, pl.ds(16 * b, 16)]
                cidx_v[0, pl.ds(16 * b, 16)] = plsc.load_gather(tid_v, [si16])
                disr = plsc.load_gather(dis_v, [si16])
                disc = plsc.load_gather(dis_v, [di16])
                nrm_v[0, pl.ds(16 * b, 16)] = disr * disc

            pltpu.async_copy(ct_hbm.at[cidx_v.at[0]], x_v, sem).wait()

            for e in range(CE):
                seg = nrm_v[0, pl.ds(e, 16)]
                nv = lax.broadcast(jnp.sum(seg * e0m), (16,))
                for kk in range(8):
                    x_v[e, pl.ds(16 * kk, 16)] = x_v[e, pl.ds(16 * kk, 16)] * nv

            pltpu.sync_copy(x_v, acc.at[di_v.at[0]], add=True)

        plsc.subcore_barrier()
        pltpu.sync_copy(
            acc.at[pl.ds(sid * stripe, stripe)],
            out_hbm.at[pl.ds(cid * n_acc + sid * stripe, stripe)])

    return k(cooking_table, tid_pad, dis_pad, si2, di2)



_BLK = 512


def _dot_t(x, w):
    return lax.dot_general(x, w, (((1,), (1,)), ((), ())),
                           preferred_element_type=jnp.float32)


def _dot(x, w):
    return lax.dot_general(x, w, (((1,), (0,)), ((), ())),
                           preferred_element_type=jnp.float32)


@jax.jit
def _tc_enc(x, W1, b1, W2, b2):
    n = x.shape[0]

    def body(x_ref, w1_ref, b1_ref, w2_ref, b2_ref, o_ref):
        h = jnp.maximum(_dot_t(x_ref[...], w1_ref[...]) + b1_ref[...], 0.0)
        z = _dot_t(h, w2_ref[...]) + b2_ref[...]
        nrm = jnp.sqrt(jnp.sum(z * z, axis=1, keepdims=True))
        o_ref[...] = z / jnp.maximum(nrm, 1e-12)

    return pl.pallas_call(
        body,
        grid=(n // _BLK,),
        in_specs=[
            pl.BlockSpec((_BLK, x.shape[1]), lambda i: (i, 0)),
            pl.BlockSpec((H, W1.shape[1]), lambda i: (0, 0)),
            pl.BlockSpec((1, H), lambda i: (0, 0)),
            pl.BlockSpec((H, H), lambda i: (0, 0)),
            pl.BlockSpec((1, H), lambda i: (0, 0)),
        ],
        out_specs=pl.BlockSpec((_BLK, H), lambda i: (i, 0)),
        out_shape=jax.ShapeDtypeStruct((n, H), jnp.float32),
    )(x, W1, b1.reshape(1, H), W2, b2.reshape(1, H))


@jax.jit
def _tc_enc_pre(x, W0, b0, W1, b1, W2, b2):
    n = x.shape[0]

    def body(x_ref, w0_ref, b0_ref, w1_ref, b1_ref, w2_ref, b2_ref, o_ref):
        x0 = _dot_t(x_ref[...], w0_ref[...]) + b0_ref[...]
        h = jnp.maximum(_dot_t(x0, w1_ref[...]) + b1_ref[...], 0.0)
        z = _dot_t(h, w2_ref[...]) + b2_ref[...]
        nrm = jnp.sqrt(jnp.sum(z * z, axis=1, keepdims=True))
        o_ref[...] = z / jnp.maximum(nrm, 1e-12)

    d_in = x.shape[1]
    return pl.pallas_call(
        body,
        grid=(n // _BLK,),
        in_specs=[
            pl.BlockSpec((_BLK, d_in), lambda i: (i, 0)),
            pl.BlockSpec((H, d_in), lambda i: (0, 0)),
            pl.BlockSpec((1, H), lambda i: (0, 0)),
            pl.BlockSpec((H, H), lambda i: (0, 0)),
            pl.BlockSpec((1, H), lambda i: (0, 0)),
            pl.BlockSpec((H, H), lambda i: (0, 0)),
            pl.BlockSpec((1, H), lambda i: (0, 0)),
        ],
        out_specs=pl.BlockSpec((_BLK, H), lambda i: (i, 0)),
        out_shape=jax.ShapeDtypeStruct((n, H), jnp.float32),
    )(x, W0, b0.reshape(1, H), W1, b1.reshape(1, H), W2, b2.reshape(1, H))


@jax.jit
def _tc_cl_loss(z1, z2):
    n = z1.shape[0]

    def body(z1_ref, z2_ref, o_ref):
        i = pl.program_id(0)
        s = _dot_t(z1_ref[...], z2_ref[...]) * (1.0 / TEMP)
        m = jnp.max(s, axis=1, keepdims=True)
        lse = m[:, 0] + jnp.log(jnp.sum(jnp.exp(s - m), axis=1))
        rows = lax.broadcasted_iota(jnp.int32, (_BLK, n), 0) + i * _BLK
        cols = lax.broadcasted_iota(jnp.int32, (_BLK, n), 1)
        diag = jnp.sum(jnp.where(rows == cols, s, 0.0), axis=1)
        part = lax.broadcast(jnp.sum(lse - diag), (1, 1))

        @pl.when(i == 0)
        def _():
            o_ref[...] = jnp.zeros((1, 1), jnp.float32)

        o_ref[...] += part

    return pl.pallas_call(
        body,
        grid=(n // _BLK,),
        in_specs=[
            pl.BlockSpec((_BLK, H), lambda i: (i, 0)),
            pl.BlockSpec((n, H), lambda i: (0, 0)),
        ],
        out_specs=pl.BlockSpec((1, 1), lambda i: (0, 0)),
        out_shape=jax.ShapeDtypeStruct((1, 1), jnp.float32),
    )(z1, z2)[0, 0]


@functools.partial(jax.jit, static_argnames=("two_x",))
def _tc_proj(x, xb, kW, kb, Ra, vW, vb, Rm, qW, qb, two_x):
    n = x.shape[0]

    def body(x_ref, xb_ref, kw_ref, kb_ref, ra_ref, vw_ref, vb_ref, rm_ref,
             qw_ref, qb_ref, ok_ref, ov_ref, oq_ref):
        xx = x_ref[...]
        if two_x:
            xx = xx + xb_ref[...]
        ok_ref[...] = _dot(_dot_t(xx, kw_ref[...]) + kb_ref[...], ra_ref[...])
        ov_ref[...] = _dot(_dot_t(xx, vw_ref[...]) + vb_ref[...], rm_ref[...])
        oq_ref[...] = _dot_t(xx, qw_ref[...]) + qb_ref[...]

    full = lambda i: (0, 0)
    blk = lambda i: (i, 0)
    return pl.pallas_call(
        body,
        grid=(n // _BLK,),
        in_specs=[
            pl.BlockSpec((_BLK, H), blk),
            pl.BlockSpec((_BLK, H), blk),
            pl.BlockSpec((H, H), full),
            pl.BlockSpec((1, H), full),
            pl.BlockSpec((H, H), full),
            pl.BlockSpec((H, H), full),
            pl.BlockSpec((1, H), full),
            pl.BlockSpec((H, H), full),
            pl.BlockSpec((H, H), full),
            pl.BlockSpec((1, H), full),
        ],
        out_specs=[pl.BlockSpec((_BLK, H), blk)] * 3,
        out_shape=[jax.ShapeDtypeStruct((n, H), jnp.float32)] * 3,
    )(x, xb, kW, kb.reshape(1, H), Ra, vW, vb.reshape(1, H), Rm, qW,
      qb.reshape(1, H))


@jax.jit
def _tc_dis(degp):
    nw, nd = degp.shape

    def body(d_ref, o_ref):
        deg = jnp.sum(d_ref[...], axis=0, keepdims=True)
        o_ref[...] = jnp.where(
            deg > 0, lax.rsqrt(jnp.maximum(deg, 1e-12)), 0.0)

    return pl.pallas_call(
        body,
        grid=(1,),
        in_specs=[pl.BlockSpec((nw, nd), lambda i: (0, 0))],
        out_specs=pl.BlockSpec((1, nd), lambda i: (0, 0)),
        out_shape=jax.ShapeDtypeStruct((1, nd), jnp.float32),
    )(degp)[0]


@functools.partial(jax.jit, static_argnames=("nt",))
def _tc_epilogue(numsA, numsB, dens, xs_scaled, aW, ab, nt):
    n = xs_scaled.shape[0]

    def body(na_ref, nb_ref, de_ref, x_ref, aw_ref, ab_ref, o_ref):
        agg = jnp.zeros((_BLK, H), jnp.float32)
        for t in range(nt):
            num = na_ref[t] + nb_ref[t]
            den = jnp.sum(de_ref[t], axis=0) + 1e-16
            agg = agg + num / den[:, None]
        g = 0.5 * agg * (1.0 + lax.erf(agg * (1.0 / math.sqrt(2.0))))
        o_ref[...] = _dot_t(g, aw_ref[...]) + ab_ref[...] + x_ref[...]

    return pl.pallas_call(
        body,
        grid=(n // _BLK,),
        in_specs=[
            pl.BlockSpec((nt, _BLK, H), lambda i: (0, i, 0)),
            pl.BlockSpec((nt, _BLK, H), lambda i: (0, i, 0)),
            pl.BlockSpec((nt, NW, _BLK), lambda i: (0, 0, i)),
            pl.BlockSpec((_BLK, H), lambda i: (i, 0)),
            pl.BlockSpec((H, H), lambda i: (0, 0)),
            pl.BlockSpec((1, H), lambda i: (0, 0)),
        ],
        out_specs=pl.BlockSpec((_BLK, H), lambda i: (i, 0)),
        out_shape=jax.ShapeDtypeStruct((n, H), jnp.float32),
    )(numsA, numsB, dens, xs_scaled, aW, ab.reshape(1, H))


def _pad_edges(eidx, n_d_dummy):
    E = eidx.shape[1]
    E_pad = _ceil_to(E, NW * CE)
    si = jnp.pad(eidx[0].astype(jnp.int32), (0, E_pad - E))
    di = jnp.pad(eidx[1].astype(jnp.int32), (0, E_pad - E),
                 constant_values=n_d_dummy)
    return si, di



def kernel(user_id, image_recipe_id, intention_nutrient, ingredient_id,
           taste_recipe_id, item_x, edge_taste_ing, edge_taste_item,
           edge_intention_item, edge_image_item, edge_user_item,
           edge_item_user, user_table, visual_table, caption_table,
           cooking_table, ingredient_table, nutrient_W, nutrient_b, fc1_W,
           fc1_b, fc2_W, fc2_b, hgt_k_W, hgt_k_b, hgt_q_W, hgt_q_b, hgt_v_W,
           hgt_v_b, hgt_a_W, hgt_a_b, hgt_skip, hgt_rel_a, hgt_rel_m,
           hgt_rel_p):
    n_user = user_id.shape[0]
    n_item = item_x.shape[0]
    n_taste = taste_recipe_id.shape[0]
    n_int = intention_nutrient.shape[0]
    n_img = image_recipe_id.shape[0]

    user_x = _gather_rows(user_table, user_id, n_user)
    visual_x = _gather_rows(visual_table, image_recipe_id, n_img)
    caption_x = _gather_rows(caption_table, image_recipe_id, n_img)

    z1 = _tc_enc_pre(intention_nutrient, nutrient_W, nutrient_b,
                     fc1_W, fc1_b, fc2_W, fc2_b)
    z2 = _tc_enc(caption_x, fc1_W, fc1_b, fc2_W, fc2_b)
    cl_loss = _tc_cl_loss(z1, z2) / jnp.float32(n_int)

    n_t_acc = _ceil_to(n_taste + 1, NS * CE)
    n_t_den = _ceil_to(n_taste + 1, CE)
    si2, di2 = _pad_edges(edge_taste_ing, n_taste)
    degp = _sc_degree(di2, n_t_den).reshape(NW, n_t_den)
    dis_pad = _tc_dis(degp)
    tid_pad = jnp.pad(taste_recipe_id.astype(jnp.int32),
                      (0, n_t_den - n_taste))
    tx = _sc_lgconv(cooking_table, tid_pad, dis_pad, si2, di2,
                    n_t_acc, n_t_den)

    n_pad = _ceil_to(n_user, _BLK)
    user_xp = jnp.pad(user_x, ((0, n_pad - n_user), (0, 0)))
    item_xp = jnp.pad(item_x, ((0, n_pad - n_item), (0, 0)))
    type_info = {
        0: (user_xp, None, 3),
        1: (item_xp, None, 4),
        2: (tx[:n_t_acc], tx[n_t_acc:], 0),
        3: (z2, None, 1),
        4: (visual_x, None, 2),
    }
    krels, vrels, qs = {}, {}, {}
    for t, (x, xb, ei) in type_info.items():
        Ra = hgt_rel_a[ei] * (hgt_rel_p[ei] / math.sqrt(H))
        krels[ei], vrels[ei], qs[t] = _tc_proj(
            x, x if xb is None else xb, hgt_k_W[t], hgt_k_b[t], Ra,
            hgt_v_W[t], hgt_v_b[t], hgt_rel_m[ei], hgt_q_W[t], hgt_q_b[t],
            xb is not None)

    edges = [(2, edge_taste_item, 1), (3, edge_intention_item, 1),
             (4, edge_image_item, 1), (0, edge_user_item, 1),
             (1, edge_item_user, 0)]
    n_d = n_user
    n_acc = _ceil_to(n_d + 1, NS * CE)
    n_den = _ceil_to(n_d + 1, CE)
    parts = {}
    for ei in range(5):
        s, eidx, d = edges[ei]
        si1, di1 = _pad_edges(eidx, n_d)
        parts[ei] = _sc_edge_agg(krels[ei], qs[d], vrels[ei], si1, di1,
                                 n_acc, n_den)

    outs = []
    for i, eis, x_full in ((0, (4,), user_xp), (1, (0, 1, 2, 3), item_xp)):
        numsA = jnp.stack([parts[ei][0][:n_pad] for ei in eis])
        numsB = jnp.stack([parts[ei][0][n_acc:n_acc + n_pad] for ei in eis])
        dens = jnp.stack(
            [jnp.pad(parts[ei][1].reshape(NW, n_den),
                     ((0, 0), (0, n_pad - n_den))) for ei in eis])
        beta = jax.nn.sigmoid(hgt_skip[i])
        o = _tc_epilogue(numsA, numsB, dens, (1.0 - beta) * x_full,
                         beta * hgt_a_W[i], beta * hgt_a_b[i], len(eis))
        outs.append(o[:n_d])
    return (outs[0], outs[1], cl_loss)

# --- scband reference (transcript-rebuilt; emitter-appended) ---
"""Pipeline reference for scband-recommendation-model-70677981823678 (READ-ONLY COPY).

The authoritative reference and input builder live on the scoring server;
editing this copy changes nothing except your own understanding.
"""

import jax
import jax.numpy as jnp
import numpy as np
import math

H = 128
N_USER = 10000
N_ITEM = 10000
N_TASTE = 10000
N_ING = 20000
N_INT = 4096
N_IMG = 4096
V_USER = 100000
V_RECIPE = 100000
V_ING = 20000
NUTRIENT_DIM = 64
TEMP = 0.5


def _lin(x, W, b):
    return x @ W.T + b


def _lgconv(x, edge_index):
    n = x.shape[0]
    row = edge_index[0]
    col = edge_index[1]
    deg = jax.ops.segment_sum(jnp.ones(row.shape[0], jnp.float32), col, num_segments=n)
    dis = jnp.where(deg > 0, 1.0 / jnp.sqrt(jnp.maximum(deg, 1e-12)), 0.0)
    norm = dis[row] * dis[col]
    return jax.ops.segment_sum(norm[:, None] * jnp.take(x, row, axis=0), col, num_segments=n)


def _forward(user_id, image_recipe_id, intention_nutrient, ingredient_id, taste_recipe_id, item_x,
             edge_taste_ing, edge_taste_item, edge_intention_item, edge_image_item, edge_user_item, edge_item_user,
             user_table, visual_table, caption_table, cooking_table, ingredient_table,
             nutrient_W, nutrient_b, fc1_W, fc1_b, fc2_W, fc2_b,
             hgt_k_W, hgt_k_b, hgt_q_W, hgt_q_b, hgt_v_W, hgt_v_b, hgt_a_W, hgt_a_b, hgt_skip,
             hgt_rel_a, hgt_rel_m, hgt_rel_p):
    # StaticEmbeddingLoader lookups
    user_x = jnp.take(user_table, user_id, axis=0)
    visual_x = jnp.take(visual_table, image_recipe_id, axis=0)
    caption_x = jnp.take(caption_table, image_recipe_id, axis=0)
    nutrient_x = _lin(intention_nutrient, nutrient_W, nutrient_b)
    ingredient_x = jnp.take(ingredient_table, ingredient_id, axis=0)  # computed as in original forward (unused downstream)
    cooking_x = jnp.take(cooking_table, taste_recipe_id, axis=0)

    # ContrastiveLearning (shared encoder)
    def enc(x):
        h = jax.nn.relu(_lin(x, fc1_W, fc1_b))
        z = _lin(h, fc2_W, fc2_b)
        nrm = jnp.linalg.norm(z, axis=1, keepdims=True)
        return z / jnp.maximum(nrm, 1e-12)

    z1 = enc(nutrient_x)
    z2 = enc(caption_x)
    sim = (z1 @ z2.T) / TEMP
    cl_loss = jnp.mean(jax.nn.logsumexp(sim, axis=1) - jnp.diagonal(sim))

    # TasteGNN: LGConv on taste node features
    taste_x = _lgconv(cooking_x, edge_taste_ing)

    # MultiModalFusionGAT: HGTConv, heads=1
    xs = [user_x, item_x, taste_x, z2, visual_x]  # user, item, taste, intention(=cl caption), image
    sizes = [x.shape[0] for x in xs]
    K = [_lin(xs[i], hgt_k_W[i], hgt_k_b[i]) for i in range(5)]
    Q = [_lin(xs[i], hgt_q_W[i], hgt_q_b[i]) for i in range(5)]
    V = [_lin(xs[i], hgt_v_W[i], hgt_v_b[i]) for i in range(5)]
    edges = [(2, edge_taste_item, 1), (3, edge_intention_item, 1), (4, edge_image_item, 1), (0, edge_user_item, 1), (1, edge_item_user, 0)]
    agg = [jnp.zeros_like(x) for x in xs]
    for ei in range(5):
        s, eidx, d = edges[ei]
        si = eidx[0]
        di = eidx[1]
        ke = jnp.take(K[s], si, axis=0) @ hgt_rel_a[ei]
        ve = jnp.take(V[s], si, axis=0) @ hgt_rel_m[ei]
        score = jnp.sum(ke * jnp.take(Q[d], di, axis=0), axis=1) * hgt_rel_p[ei] / math.sqrt(H)
        m = jax.ops.segment_max(score, di, num_segments=sizes[d])
        m = jnp.where(jnp.isfinite(m), m, 0.0)
        e = jnp.exp(score - m[di])
        ssum = jax.ops.segment_sum(e, di, num_segments=sizes[d])
        alpha = e / (ssum[di] + 1e-16)
        agg[d] = agg[d] + jax.ops.segment_sum(alpha[:, None] * ve, di, num_segments=sizes[d])
    outs = []
    for i in range(5):
        o = _lin(jax.nn.gelu(agg[i], approximate=False), hgt_a_W[i], hgt_a_b[i])
        beta = jax.nn.sigmoid(hgt_skip[i])
        outs.append(beta * o + (1.0 - beta) * xs[i])
    return (outs[0], outs[1], cl_loss)


def setup_inputs(seed: int = 0):
    key = jax.random.key(seed)
    ks = list(jax.random.split(key, 32))

    def nrm(i, shape, scale=0.05):
        return jax.random.normal(ks[i], shape, dtype=jnp.float32) * scale

    def ridx(i, shape, hi):
        return jax.random.randint(ks[i], shape, 0, hi)

    inp = {}
    inp['user_id'] = ridx(0, (N_USER,), V_USER)
    inp['image_recipe_id'] = ridx(1, (N_IMG,), V_RECIPE)
    inp['intention_nutrient'] = jax.random.normal(ks[2], (N_INT, NUTRIENT_DIM), dtype=jnp.float32)
    inp['ingredient_id'] = ridx(3, (N_ING,), V_ING)
    inp['taste_recipe_id'] = ridx(4, (N_TASTE,), V_RECIPE)
    inp['item_x'] = jax.random.normal(ks[5], (N_ITEM, H), dtype=jnp.float32)
    inp['edge_taste_ing'] = ridx(6, (2, 160000), N_TASTE)
    inp['edge_taste_item'] = ridx(7, (2, 10000), N_TASTE)
    inp['edge_intention_item'] = ridx(8, (2, 4096), N_INT)
    inp['edge_image_item'] = ridx(9, (2, 4096), N_IMG)
    inp['edge_user_item'] = ridx(10, (2, 320000), N_USER)
    inp['edge_item_user'] = ridx(11, (2, 320000), N_ITEM)
    inp['user_table'] = nrm(12, (V_USER, H))
    inp['visual_table'] = nrm(13, (V_RECIPE, H))
    inp['caption_table'] = nrm(14, (V_RECIPE, H))
    inp['cooking_table'] = nrm(15, (V_RECIPE, H))
    inp['ingredient_table'] = nrm(16, (V_ING, H))
    inp['nutrient_W'] = nrm(17, (H, NUTRIENT_DIM))
    inp['nutrient_b'] = jnp.zeros((H,), jnp.float32)
    inp['fc1_W'] = nrm(18, (H, H))
    inp['fc1_b'] = jnp.zeros((H,), jnp.float32)
    inp['fc2_W'] = nrm(19, (H, H))
    inp['fc2_b'] = jnp.zeros((H,), jnp.float32)
    inp['hgt_k_W'] = nrm(20, (5, H, H))
    inp['hgt_k_b'] = jnp.zeros((5, H), jnp.float32)
    inp['hgt_q_W'] = nrm(21, (5, H, H))
    inp['hgt_q_b'] = jnp.zeros((5, H), jnp.float32)
    inp['hgt_v_W'] = nrm(22, (5, H, H))
    inp['hgt_v_b'] = jnp.zeros((5, H), jnp.float32)
    inp['hgt_a_W'] = nrm(23, (5, H, H))
    inp['hgt_a_b'] = jnp.zeros((5, H), jnp.float32)
    inp['hgt_skip'] = jnp.ones((5,), jnp.float32)
    inp['hgt_rel_a'] = nrm(24, (5, H, H))
    inp['hgt_rel_m'] = nrm(25, (5, H, H))
    inp['hgt_rel_p'] = jnp.ones((5,), jnp.float32)
    return inp


def reference(user_id, image_recipe_id, intention_nutrient, ingredient_id, taste_recipe_id, item_x,
              edge_taste_ing, edge_taste_item, edge_intention_item, edge_image_item, edge_user_item, edge_item_user,
              user_table, visual_table, caption_table, cooking_table, ingredient_table,
              nutrient_W, nutrient_b, fc1_W, fc1_b, fc2_W, fc2_b,
              hgt_k_W, hgt_k_b, hgt_q_W, hgt_q_b, hgt_v_W, hgt_v_b, hgt_a_W, hgt_a_b, hgt_skip,
              hgt_rel_a, hgt_rel_m, hgt_rel_p):
    return _forward(user_id, image_recipe_id, intention_nutrient, ingredient_id, taste_recipe_id, item_x,
                    edge_taste_ing, edge_taste_item, edge_intention_item, edge_image_item, edge_user_item, edge_item_user,
                    user_table, visual_table, caption_table, cooking_table, ingredient_table,
                    nutrient_W, nutrient_b, fc1_W, fc1_b, fc2_W, fc2_b,
                    hgt_k_W, hgt_k_b, hgt_q_W, hgt_q_b, hgt_v_W, hgt_v_b, hgt_a_W, hgt_a_b, hgt_skip,
                    hgt_rel_a, hgt_rel_m, hgt_rel_p)

if __name__ == "__main__":
    import jax
    _d = setup_inputs()
    print(jax.jit(kernel)(*tuple(_d.values())))

</pallas_src>

<mosaic_0001>
#map = affine_map<(d0, d1) -> (0, 0)>
#map1 = affine_map<(d0, d1) -> (0)>
module attributes {stable_mosaic.version = 14 : i64} {
  func.func @k(%arg0: i32, %arg1: i32, %arg2: memref<100000x128xf32, #tpu.memory_space<hbm>>, %arg3: memref<10240xi32, #tpu.memory_space<hbm>>, %arg4: memref<10240x128xf32, #tpu.memory_space<hbm>>, %arg5: memref<1x80xi32, #tpu.memory_space<vmem>>, %arg6: memref<80x128xf32, #tpu.memory_space<vmem>>, %arg7: memref<!tpu.dma_semaphore, #tpu.memory_space<semaphore_mem>>) attributes {dimension_semantics = [#tpu.dimension_semantics<core_parallel>, #tpu.dimension_semantics<subcore_parallel>], iteration_bounds = array<i64: 2, 16>, scalar_prefetch = 0 : i64, scratch_operands = 3 : i64, tpu.core_type = #tpu.core_type<sc_vector_subcore>, window_params = [{transform_indices = #map}, {transform_indices = #map1}, {transform_indices = #map}]} {
    %mul3A = arith.constant 16 : i32
    %mul3A_0 = arith.muli %arg0, %mul3A : i32
    %add3A = arith.addi %mul3A_0, %arg1 : i32
    %scan3A = arith.constant 0 : i32
    %scan3A_1 = arith.constant 4 : i32
    %scan3A_2 = arith.addi %scan3A, %scan3A_1 : i32
    %scan3A_3 = arith.constant 1 : i32
    scf.for %scan3A_5 = %scan3A to %scan3A_2 step %scan3A_3  : i32 {
      %mul3A_6 = arith.constant 1 : i32
      %mul3A_7 = arith.muli %scan3A_5, %mul3A_6 : i32
      %add3A_8 = arith.constant 0 : i32
      %add3A_9 = arith.addi %add3A_8, %mul3A_7 : i32
      %mul3A_10 = arith.constant 4 : i32
      %mul3A_11 = arith.muli %add3A, %mul3A_10 : i32
      %add3A_12 = arith.addi %mul3A_11, %add3A_9 : i32
      %mul3A_13 = arith.constant 80 : i32
      %mul3A_14 = arith.muli %add3A_12, %mul3A_13 : i32
      %run_scoped3A = arith.constant 0 : i32
      "tpu.region"() ({
        %run_scoped3A_29 = tpu.sem_alloc : memref<!tpu.dma_semaphore, #tpu.memory_space<semaphore_mem>>
        %dma_start3A_30 = arith.constant 0 : i32
        %dma_start3A_31 = tpu.memref_slice %arg5[%run_scoped3A, %dma_start3A_30] : memref<1x80xi32, #tpu.memory_space<vmem>> -> memref<1x80xi32, #tpu.memory_space<vmem>>
        %dma_start3A_32 = tpu.memref_squeeze %dma_start3A_31 : memref<1x80xi32, #tpu.memory_space<vmem>> -> memref<80xi32, #tpu.memory_space<vmem>>
        %dma_start3A_33 = tpu.memref_slice %arg3[%mul3A_14] : memref<10240xi32, #tpu.memory_space<hbm>> -> memref<80xi32, #tpu.memory_space<hbm>>
        %dma_start3A_34 = arith.constant 0 : i32
        %dma_start3A_35 = tpu.memref_slice %arg5[%run_scoped3A, %dma_start3A_34] : memref<1x80xi32, #tpu.memory_space<vmem>> -> memref<1x80xi32, #tpu.memory_space<vmem>>
        %dma_start3A_36 = tpu.memref_squeeze %dma_start3A_35 : memref<1x80xi32, #tpu.memory_space<vmem>> -> memref<80xi32, #tpu.memory_space<vmem>>
        %dma_start3A_37 = tpu.memref_slice %arg3[%mul3A_14] : memref<10240xi32, #tpu.memory_space<hbm>> -> memref<80xi32, #tpu.memory_space<hbm>>
        tpu.enqueue_dma source(%dma_start3A_37 : memref<80xi32, #tpu.memory_space<hbm>>) target(%dma_start3A_36 : memref<80xi32, #tpu.memory_space<vmem>>) target_semaphore(%run_scoped3A_29 : memref<!tpu.dma_semaphore, #tpu.memory_space<semaphore_mem>>)
        %dma_wait3A_38 = arith.constant 0 : i32
        %dma_wait3A_39 = tpu.memref_slice %arg5[%run_scoped3A, %dma_wait3A_38] : memref<1x80xi32, #tpu.memory_space<vmem>> -> memref<1x80xi32, #tpu.memory_space<vmem>>
        %dma_wait3A_40 = tpu.memref_squeeze %dma_wait3A_39 : memref<1x80xi32, #tpu.memory_space<vmem>> -> memref<80xi32, #tpu.memory_space<vmem>>
        %dma_wait3A_41 = tpu.memref_slice %arg3[%mul3A_14] : memref<10240xi32, #tpu.memory_space<hbm>> -> memref<80xi32, #tpu.memory_space<hbm>>
        %dma_wait3A_42 = arith.constant 0 : i32
        %dma_wait3A_43 = tpu.memref_slice %arg5[%run_scoped3A, %dma_wait3A_42] : memref<1x80xi32, #tpu.memory_space<vmem>> -> memref<1x80xi32, #tpu.memory_space<vmem>>
        %dma_wait3A_44 = tpu.memref_squeeze %dma_wait3A_43 : memref<1x80xi32, #tpu.memory_space<vmem>> -> memref<80xi32, #tpu.memory_space<vmem>>
        %dma_wait3A_45 = tpu.memref_slice %arg3[%mul3A_14] : memref<10240xi32, #tpu.memory_space<hbm>> -> memref<80xi32, #tpu.memory_space<hbm>>
        tpu.wait_dma2 semaphore(%run_scoped3A_29 : memref<!tpu.dma_semaphore, #tpu.memory_space<semaphore_mem>>) src(%dma_wait3A_45 : memref<80xi32, #tpu.memory_space<hbm>>) dst(%dma_wait3A_44 : memref<80xi32, #tpu.memory_space<vmem>>)
        tpu.yield
      }) : () -> ()
      %dma_start3A = arith.constant 0 : i32
      %dma_start3A_15 = arith.constant 0 : i32
      %dma_start3A_16 = tpu.memref_slice %arg5[%dma_start3A, %dma_start3A_15] : memref<1x80xi32, #tpu.memory_space<vmem>> -> memref<1x80xi32, #tpu.memory_space<vmem>>
      %dma_start3A_17 = tpu.memref_squeeze %dma_start3A_16 : memref<1x80xi32, #tpu.memory_space<vmem>> -> memref<80xi32, #tpu.memory_space<vmem>>
      %dma_start3A_18 = arith.constant 0 : i32
      %dma_start3A_19 = arith.constant 0 : i32
      %dma_start3A_20 = tpu.memref_slice %arg2[%dma_start3A_18, %dma_start3A_19] : memref<100000x128xf32, #tpu.memory_space<hbm>> -> memref<100000x128xf32, #tpu.memory_space<hbm>>
      tpu.enqueue_indirect_dma source(%dma_start3A_20 : memref<100000x128xf32, #tpu.memory_space<hbm>>) target(%arg6 : memref<80x128xf32, #tpu.memory_space<vmem>>) offsets(%dma_start3A_17 : memref<80xi32, #tpu.memory_space<vmem>>) semaphore(%arg7 : memref<!tpu.dma_semaphore, #tpu.memory_space<semaphore_mem>>)
      %dma_wait3A = arith.constant 0 : i32
      %dma_wait3A_21 = arith.constant 0 : i32
      %dma_wait3A_22 = tpu.memref_slice %arg5[%dma_wait3A, %dma_wait3A_21] : memref<1x80xi32, #tpu.memory_space<vmem>> -> memref<1x80xi32, #tpu.memory_space<vmem>>
      %dma_wait3A_23 = tpu.memref_squeeze %dma_wait3A_22 : memref<1x80xi32, #tpu.memory_space<vmem>> -> memref<80xi32, #tpu.memory_space<vmem>>
      %dma_wait3A_24 = arith.constant 0 : i32
      %dma_wait3A_25 = arith.constant 0 : i32
      %dma_wait3A_26 = tpu.memref_slice %arg2[%dma_wait3A_24, %dma_wait3A_25] : memref<100000x128xf32, #tpu.memory_space<hbm>> -> memref<100000x128xf32, #tpu.memory_space<hbm>>
      tpu.wait_indirect_dma semaphore(%arg7 : memref<!tpu.dma_semaphore, #tpu.memory_space<semaphore_mem>>) src(%dma_wait3A_26 : memref<100000x128xf32, #tpu.memory_space<hbm>>) dst(%arg6 : memref<80x128xf32, #tpu.memory_space<vmem>>)
      %mul3A_27 = arith.constant 80 : i32
      %mul3A_28 = arith.muli %add3A_12, %mul3A_27 : i32
      "tpu.region"() ({
        %run_scoped3A_29 = tpu.sem_alloc : memref<!tpu.dma_semaphore, #tpu.memory_space<semaphore_mem>>
        %dma_start3A_30 = arith.constant 0 : i32
        %dma_start3A_31 = tpu.memref_slice %arg4[%mul3A_28, %dma_start3A_30] : memref<10240x128xf32, #tpu.memory_space<hbm>> -> memref<80x128xf32, #tpu.memory_space<hbm>>
        %dma_start3A_32 = arith.constant 0 : i32
        %dma_start3A_33 = tpu.memref_slice %arg4[%mul3A_28, %dma_start3A_32] : memref<10240x128xf32, #tpu.memory_space<hbm>> -> memref<80x128xf32, #tpu.memory_space<hbm>>
        tpu.enqueue_dma source(%arg6 : memref<80x128xf32, #tpu.memory_space<vmem>>) target(%dma_start3A_33 : memref<80x128xf32, #tpu.memory_space<hbm>>) target_semaphore(%run_scoped3A_29 : memref<!tpu.dma_semaphore, #tpu.memory_space<semaphore_mem>>)
        %dma_wait3A_34 = arith.constant 0 : i32
        %dma_wait3A_35 = tpu.memref_slice %arg4[%mul3A_28, %dma_wait3A_34] : memref<10240x128xf32, #tpu.memory_space<hbm>> -> memref<80x128xf32, #tpu.memory_space<hbm>>
        %dma_wait3A_36 = arith.constant 0 : i32
        %dma_wait3A_37 = tpu.memref_slice %arg4[%mul3A_28, %dma_wait3A_36] : memref<10240x128xf32, #tpu.memory_space<hbm>> -> memref<80x128xf32, #tpu.memory_space<hbm>>
        tpu.wait_dma2 semaphore(%run_scoped3A_29 : memref<!tpu.dma_semaphore, #tpu.memory_space<semaphore_mem>>) src(%arg6 : memref<80x128xf32, #tpu.memory_space<vmem>>) dst(%dma_wait3A_37 : memref<80x128xf32, #tpu.memory_space<hbm>>)
        tpu.yield
      }) : () -> ()
    }
    %scan3A_4 = arith.constant 4 : i32
    return
  }
}

</mosaic_0001>

<sc_bundles>
// kernel: _sc_gather.3.cloned.1.call-start
scs
__scs_entry_jumppad:
0x0: {  	(pc) =	sbr.rel $0x88, $3  }
0x1: {  	(tag) =	ssettag $0x0;
	lr =	simm.s32 $0x1  }
0x2: {  	[smem:$0x3F9F] =	sst lr;
	_ =	strace $0xD0000000  }
0x3: {  	_ = 	snop  }
0x4: {  	_ = 	snop  }
0x5: {  	_ = 	snop  }
0x6: {  	_ = 	snop  }
0x7: {  	_ = 	snop  }
__scs_overlays_trampoline_lowered:
0x8: {  	[smem:$0x3FAE] =	sst s0  }
0x9: {  	[smem:$0x3FAF] =	sst s1  }
0xa: {  	[smem:$0x3FB0] =	sst s2  }
0xb: {  	[smem:$0x3FB1] =	sst s3  }
0xc: {  	[smem:$0x3FB2] =	sst s4  }
0xd: {  	[smem:$0x3FB3] =	sst s5  }
0xe: {  	[smem:$0x3FB4] =	sst s6  }
0xf: {  	[smem:$0x3FB5] =	sst s7  }
0x10: {  	[smem:$0x3FB6] =	sst s8  }
0x11: {  	[smem:$0x3FB7] =	sst s9;
	s0 =	simm.s32 @!p0 $0x0  }
0x12: {  	s1 =	sld [smem:$0x3F9D];
	s0 =	simm.s32 @p0 $0x1  }
0x13: {  	[smem:$0x3FB8] =	sst s0;
	s0 =	simm.s32 @!p1 $0x0  }
0x14: {  	s2 =	sld [smem:$0x3F9C];
	s0 =	simm.s32 @p1 $0x1  }
0x15: {  	[smem:$0x3FB9] =	sst s0;
	s0 =	simm.s32 @!p2 $0x0  }
0x16: {  	s3 =	sld [smem:$0x3FDB];
	s0 =	simm.s32 @p2 $0x1  }
0x17: {  	s4 =	simm.s32 $0x1BF5;
	[smem:$0x3FBB] =	sst s0  }
0x18: {  	s0 =	sld [smem:$0x3F9E];
	_ =	swait.ge [sflag:s4], $0x0  }
0x19: {  	s7 =	sld [smem:$0x3F9F]  }
0x1a: {  	s8 =	sadd.s32 $0xFFFFE003, lr  }
0x1b: {  	s9 =	sadd.s32 $0xFFFFFEF7, lr;
	s5 =	simm.s32 $0xFFFFFFFF;
	p2 =	slt.u32 s8, $0xFFFFF086  }
0x1c: {  	p1 =	slt.u32 s9, $0xF7A;
	s5 =	simm.s32 @!p2 $0x0  }
0x1d: {  	s5 =	simm.s32 @p1 $0x1;
	p0 =	seq.s32 s7, s2  }
0x1e: {  	s7 =	smul.u32 @!p0 $0xF7A, s2;
	p2 =	seq.s32 @!p0 s5, $0x0  }
0x1f: {  	s9 =	smul.u32 $0xF7A, s1;
	s8 =	simm.s32 @!p0 $0x1BF5;
	p2 =	por !p2, p0  }
0x20: {  	[sflag:s8] =	ssyncset.s32 @!p0 $0xFFFFF086;
	s6 =	sadd.s32 @!p0 s3, s7;
	s7 =	simm.s32 @!p0 $0x108  }
0x21: {  	s3 =	sadd.s32 s3, s9;
	s6 =	sadd.s32 @!p0 $0x88, s6;
	s7 =	simm.s32 @p2 $0x1082  }
0x22: {  	[simem:s7], [sflag:s8] =	dma.local @!p0 [hbm:s6], $0xF7A  }
0x23: {  	s9 =	sor.u32 $0xD0000000, s2;
	s6 =	simm.s32 $0x108;
	_ =	swait.ge @!p0 [sflag:s8], $0x0  }
0x24: {  	s3 =	sadd.s32 $0x88, s3;
	s6 =	simm.s32 @!p1 $0x1082;
	[sflag:s4] =	ssyncset.s32 $0xFFFFF086  }
0x25: {  	[simem:s6], [sflag:s4] =	dma.local [hbm:s3], $0xF7A  }
0x26: {  	[smem:$0x3F9F] =	sst s1;
	(tag) =	ssettag s2;
	_ =	strace s9  }
0x27: {  	s1 =	sld [smem:$0x3FAF]  }
0x28: {  	s2 =	sld [smem:$0x3FB0]  }
0x29: {  	s4 =	sld [smem:$0x3FB2]  }
0x2a: {  	p0 =	seq.s32 s5, $0x0;
	s5 =	sld [smem:$0x3FB3]  }
0x2b: {  	s6 =	sld [smem:$0x3FB4]  }
0x2c: {  	s7 =	sld [smem:$0x3FB5]  }
0x2d: {  	s3 =	simm.s32 $0x108;
	s8 =	sld [smem:$0x3FB6]  }
0x2e: {  	s3 =	simm.s32 @!p0 $0x1082;
	s9 =	sld [smem:$0x3FB7]  }
0x2f: {  	lr =	sadd.s32 s0, s3;
	s0 =	sld [smem:$0x3FAE]  }
0x30: {  	s3 =	sld [smem:$0x3FB1]  }
0x31: {  	[smem:$0x3FBA] =	sst s10  }
0x32: {  	s10 =	sld [smem:$0x3FB8];
	_ =	sdelay $0x3  }
0x33: {  	p0 =	seq.s32 s10, $0x1;
	s10 =	sld [smem:$0x3FBA];
	_ =	sdelay $0x3  }
0x34: {  	[smem:$0x3FBA] =	sst s10  }
0x35: {  	s10 =	sld [smem:$0x3FB9];
	_ =	sdelay $0x3  }
0x36: {  	p1 =	seq.s32 s10, $0x1;
	s10 =	sld [smem:$0x3FBA];
	_ =	sdelay $0x3  }
0x37: {  	[smem:$0x3FBA] =	sst s10  }
0x38: {  	s10 =	sld [smem:$0x3FBB]  }
0x39: {  	_ = 	snop;
	(pc) =	sbr.ind lr, $3  }
0x3a: {  	_ = 	snop  }
0x3b: {  	_ = 	snop  }
0x3c: {  	p2 =	seq.s32 s10, $0x1;
	s10 =	sld [smem:$0x3FBA]  }
0x3d: {  	_ =	shalt  }
0x3e: {  	_ =	shalt  }
0x3f: {  	_ =	shalt  }
0x40: {  	_ =	shalt  }
0x41: {  	_ =	shalt  }
0x42: {  	_ =	shalt  }
0x43: {  	_ =	shalt  }
0x44: {  	_ =	shalt  }
0x45: {  	_ =	shalt  }
0x46: {  	_ =	shalt  }
0x47: {  	_ =	shalt  }
0x48: {  	_ =	shalt  }
0x49: {  	_ =	shalt  }
0x4a: {  	_ =	shalt  }
0x4b: {  	_ =	shalt  }
0x4c: {  	_ =	shalt  }
0x4d: {  	_ =	shalt  }
0x4e: {  	_ =	shalt  }
0x4f: {  	_ =	shalt  }
0x50: {  	_ =	shalt  }
0x51: {  	_ =	shalt  }
0x52: {  	_ =	shalt  }
0x53: {  	_ =	shalt  }
0x54: {  	_ =	shalt  }
0x55: {  	_ =	shalt  }
0x56: {  	_ =	shalt  }
0x57: {  	_ =	shalt  }
0x58: {  	_ =	shalt  }
0x59: {  	_ =	shalt  }
0x5a: {  	_ =	shalt  }
0x5b: {  	_ =	shalt  }
0x5c: {  	_ =	shalt  }
0x5d: {  	_ =	shalt  }
0x5e: {  	_ =	shalt  }
0x5f: {  	_ =	shalt  }
0x60: {  	_ =	shalt  }
0x61: {  	_ =	shalt  }
0x62: {  	_ =	shalt  }
0x63: {  	_ =	shalt  }
0x64: {  	_ =	shalt  }
0x65: {  	_ =	shalt  }
0x66: {  	_ =	shalt  }
0x67: {  	_ =	shalt  }
0x68: {  	_ =	shalt  }
0x69: {  	_ =	shalt  }
0x6a: {  	_ =	shalt  }
0x6b: {  	_ =	shalt  }
0x6c: {  	_ =	shalt  }
0x6d: {  	_ =	shalt  }
0x6e: {  	_ =	shalt  }
0x6f: {  	_ =	shalt  }
0x70: {  	_ =	shalt  }
0x71: {  	_ =	shalt  }
0x72: {  	_ =	shalt  }
0x73: {  	_ =	shalt  }
0x74: {  	_ =	shalt  }
0x75: {  	_ =	shalt  }
0x76: {  	_ =	shalt  }
0x77: {  	_ =	shalt  }
0x78: {  	_ =	shalt  }
0x79: {  	_ =	shalt  }
0x7a: {  	_ =	shalt  }
0x7b: {  	_ =	shalt  }
0x7c: {  	_ =	shalt  }
0x7d: {  	_ =	shalt  }
0x7e: {  	_ =	shalt  }
0x7f: {  	_ =	shalt  }
0x80: {  	_ =	shalt  }
0x81: {  	_ =	shalt  }
0x82: {  	_ =	shalt  }
0x83: {  	_ =	shalt  }
0x84: {  	_ =	shalt  }
0x85: {  	_ =	shalt  }
0x86: {  	_ =	shalt  }
0x87: {  	_ =	shalt  }
.Lfunc_end0:
.L_simem_size_0:
called_computation_lowered:
.L_overlay_start_0:
0x88: {  	s2 =	sld [smem:$0x3FD9]  }
0x89: {  	s3 =	sld [smem:$0x3FFE];
	_ =	sdelay $0x1  }
0x8a: {  	s1 =	srdreg.scid  }
0x8b: {  	s0 =	sand.u32 $0x1, s1  }
0x8c: {  	s18 =	sshll.u32 s0, $0xA;
	s2 =	sadd.s32 s3, s2  }
0x8d: {  	s2 =	sadd.s32 s2, s18  }
0x8e: {  	[smem:$0x3FC6] =	sst s2  }
0x8f: {  	_ = 	snop  }
0x90: {  	s2 =	sld [smem:$0x3FC9]  }
0x91: {  	s19 =	sld [smem:$0x3FC8]  }
0x92: {  	s4 =	sld [smem:$0x3FD0];
	(tm) =	ssettm $0x1  }
0x93: {  	s5 =	sld [smem:$0x3FFB];
	_ =	sdelay $0x3  }
0x94: {  	_ =	strace s5  }
0x95: {  	s5 =	sld [smem:$0x3FFC];
	_ =	sdelay $0x3  }
0x96: {  	_ =	strace s5  }
0x97: {  	s5 =	sld [smem:$0x3FFD];
	_ =	sdelay $0x3  }
0x98: {  	_ =	strace s5  }
0x99: {  	_ =	strace $0x8FFFFFFF  }
0x9a: {  	s20 =	sld [smem:$0x3FDB];
	_ =	sdelay $0x1  }
0x9b: {  	s6 =	simm.s32 $_scs_section_size  }
0x9c: {  	s7 =	simm.s32 $_size__tile_overlayer_lowered;
	s8 =	simm.s32 $_tile_overlayer_lowered  }
0x9d: {  	s23 =	simm.s32 $0x1BFF;
	s22 =	sshll.u32 s8, $0x1;
	s5 =	sadd.s32 s6, s20  }
0x9e: {  	s9 =	simm.s32 $0x0;
	s21 =	sshll.u32 s7, $0x1;
	s7 =	sadd.s32 s22, s5  }
0x9f: {  	[timem:s9], [sflag:s23] =	dma.local [hbm:s7], s21  }
0xa0: {  	_ =	swait.ge [sflag:s23], s21  }
0xa1: {  	s6 =	ssub.s32 $0x0, s21;
	[sflag:s23] =	ssyncset.done $0x0  }
0xa2: {  	[sflag:s23] =	ssyncadd.s32 s6;
	_ =	sdelay $0x1  }
0xa3: {  	s24 =	simm.s32 $0x1B8B  }
0xa4: {  	_ =	swait.ge [sflag:s24], $0x1  }
0xa5: {  	[sflag:s24] =	ssyncset.done $0x0  }
0xa6: {  	s25 =	simm.s32 $0x1B8E;
	[sflag:s24] =	ssyncadd.s32 $0xFFFFFFFF  }
0xa7: {  	s26 =	simm.s32 $execute0_lowered;
	[smem:$0x3FD2] =	sst s25  }
0xa8: {  	s6 =	sshll.u32 s26, $0x1;
	_ =	strace $0x80000046;
	[dreg:$0x1] =	wrdreg $0xFFFFFFFF  }
0xa9: {  	s28 =	simm.s32 $_size_execute0_lowered;
	s5 =	sadd.s32 s5, s6;
	[dreg:$0x0] =	wrdreg $0x0  }
0xaa: {  	s6 =	sshll.u32 s28, $0x1;
	[dreg:$0x2] =	wrdreg s5  }
0xab: {  	[dreg:$0x3] =	wrdreg s6  }
0xac: {  	[dreg:$0x4] =	wrdreg $0xC0  }
0xad: {  	_ =	task [dreg:s9], $0x5FFFF  }
0xae: {  	[dreg:$0x1] =	wrdreg $0xFFFFFFFF  }
0xaf: {  	[dreg:$0x0] =	wrdreg $0x60  }
0xb0: {  	[dreg:$0x2] =	wrdreg s2  }
0xb1: {  	[dreg:$0x3] =	wrdreg s19  }
0xb2: {  	[dreg:$0x4] =	wrdreg s4  }
0xb3: {  	[dreg:$0x5] =	wrdreg $0x9  }
0xb4: {  	_ =	task.clear_ibuf [dreg:s9], $0x6FFFF;
	_ =	strace $0x90000046  }
0xb5: {  	s29 =	simm.s32 $0x9;
	_ =	strace $0x80000048  }
0xb6: {  	_ =	swait.ge [sflag:s29], $0x1  }
0xb7: {  	[sflag:s29] =	ssyncadd.s32 $0xFFFFFFFF  }
0xb8: {  	_ =	strace $0x90000048  }
0xb9: {  	_ =	sfence  }
0xba: {  	s30 =	sld [smem:$0x0];
	_ =	sdelay $0x2  }
0xbb: {  	s31 =	sshll.u32 s1, $0xD;
	s1 =	sshrl.u32 s1, $0x2  }
0xbc: {  	s3 =	sand.u32 $0x4000, s31;
	s1 =	sadd.s32 s1, s30  }
0xbd: {  	s0 =	sor.u32 s3, s0;
	s1 =	sshll.u32 s1, $0x11  }
0xbe: {  	s0 =	sor.u32 s1, s0  }
0xbf: {  	s0 =	sadd.s32 $0x8F2B, s0  }
0xc0: {  	[sflag:s0] =	ssyncadd.remote.s32 $0x1  }
0xc1: {  	_ =	sfence.sel $0xFFFF  }
0xc2: {  	[dreg:$0x0] =	wrdreg $0xFFFFFFFF;
	(pc) =	sbr.abs _section_cstart, $3  }
0xc3: {  	[dreg:$0x1] =	wrdreg $0xFFFFFFFF  }
0xc4: {  	_ =	task.clear_ibuf [dreg:s9], $0x2FFFF;
	_ =	strace $0x9FFFFFFF  }
0xc5: {  	(tm) =	ssettm $0x7FFFFFFF  }
tec
execute0_lowered:
.L_overlay_start_1:
0x0: {  	(tag) =	ssettag $0x1  }
0x1: {  	s2 =	srdreg.scid  }
0x2: {  	s1 =	rddreg [dreg:$0x0];
	s0 =	stileid.u32;
	s16 =	sand.u32 $0x1, s2  }
0x3: {  	s14 =	rddreg [dreg:$0x1];
	s3 =	sshll.u32 s0, $0x2;
	s2 =	sshll.u32 s16, $0x6  }
0x4: {  	s15 =	rddreg [dreg:$0x2];
	s17 =	sor.u32 s3, s2  }
0x5: {  	s2 =	rddreg [dreg:$0x3];
	s3 =	simm.s32 $0x0;
	s4 =	smul.u32 $0xA, s17  }
0x6: {  	[smem:$0x7FF] =	sst s3  }
0x7: {  	_ =	strace $0x80000047;
	s5 =	sadd.s32 s14, s4;
	s4 =	simm.s32 $0x2  }
0x8: {  	[tilespmem:s3], [sflag:$0x2] =	stream.linear.gather [hbm4b:s5+s3], $0x50, $0x38;
	[tilespmem:$0x2880] =	vst v63  }
0x9: {  	_ =	swait.ge [sflag:s4], $0x50  }
0xa: {  	s6 =	simm.s32 $0x50;
	[sflag:s4] =	ssyncset.done $0x0  }
0xb: {  	s7 =	simm.s32 $0x80;
	s8 =	simm.s32 $0x1;
	[sflag:s4] =	ssyncadd.s32 $0xFFFFFFB0  }
0xc: {  	[tilespmem:s7], [sflag:$0x1] =	stream.indirect.gather [hbm4b:s1+s6], $0x80, s3, s6, $0xb8;
	[tilespmem:$0x2880] =	vst v63  }
0xd: {  	s9 =	smul.u32 $0x500, s17;
	_ =	swait.ge [sflag:s8], $0x2800  }
0xe: {  	[sflag:s8] =	ssyncset.done $0x0  }
0xf: {  	s11 =	sor.u32 $0x1, s17;
	s9 =	sadd.s32 s15, s9;
	[sflag:s8] =	ssyncadd.s32 $0xFFFFD800  }
0x10: {  	[hbm4b:s9+s3] =	stream.linear.scatter [tilespmem:s7], [sflag:$0x2], $0x2800, $0x38;
	[tilespmem:$0x2880] =	vst v63  }
0x11: {  	s10 =	smul.u32 $0xA, s11;
	_ =	swait.ge [sflag:s4], $0x2800  }
0x12: {  	[sflag:s4] =	ssyncset.done $0x0  }
0x13: {  	s10 =	sadd.s32 s14, s10;
	[sflag:s4] =	ssyncadd.s32 $0xFFFFD800  }
0x14: {  	[tilespmem:s3], [sflag:$0x2] =	stream.linear.gather [hbm4b:s10+s3], $0x50, $0x38;
	[tilespmem:$0x2880] =	vst v63  }
0x15: {  	_ =	swait.ge [sflag:s4], $0x50  }
0x16: {  	[sflag:s4] =	ssyncset.done $0x0  }
0x17: {  	[sflag:s4] =	ssyncadd.s32 $0xFFFFFFB0  }
0x18: {  	[tilespmem:s7], [sflag:$0x1] =	stream.indirect.gather [hbm4b:s1+s6], $0x80, s3, s6, $0xb8;
	[tilespmem:$0x2880] =	vst v63  }
0x19: {  	s11 =	smul.u32 $0x500, s11;
	_ =	swait.ge [sflag:s8], $0x2800  }
0x1a: {  	[sflag:s8] =	ssyncset.done $0x0  }
0x1b: {  	s13 =	sor.u32 $0x2, s17;
	s11 =	sadd.s32 s15, s11;
	[sflag:s8] =	ssyncadd.s32 $0xFFFFD800  }
0x1c: {  	[hbm4b:s11+s3] =	stream.linear.scatter [tilespmem:s7], [sflag:$0x2], $0x2800, $0x38;
	[tilespmem:$0x2880] =	vst v63  }
0x1d: {  	s12 =	smul.u32 $0xA, s13;
	_ =	swait.ge [sflag:s4], $0x2800  }
0x1e: {  	[sflag:s4] =	ssyncset.done $0x0  }
0x1f: {  	s12 =	sadd.s32 s14, s12;
	[sflag:s4] =	ssyncadd.s32 $0xFFFFD800  }
0x20: {  	[tilespmem:s3], [sflag:$0x2] =	stream.linear.gather [hbm4b:s12+s3], $0x50, $0x38;
	[tilespmem:$0x2880] =	vst v63  }
0x21: {  	_ =	swait.ge [sflag:s4], $0x50  }
0x22: {  	[sflag:s4] =	ssyncset.done $0x0  }
0x23: {  	[sflag:s4] =	ssyncadd.s32 $0xFFFFFFB0  }
0x24: {  	[tilespmem:s7], [sflag:$0x1] =	stream.indirect.gather [hbm4b:s1+s6], $0x80, s3, s6, $0xb8;
	[tilespmem:$0x2880] =	vst v63  }
0x25: {  	s13 =	smul.u32 $0x500, s13;
	_ =	swait.ge [sflag:s8], $0x2800  }
0x26: {  	[sflag:s8] =	ssyncset.done $0x0  }
0x27: {  	s17 =	sor.u32 $0x3, s17;
	s13 =	sadd.s32 s15, s13;
	[sflag:s8] =	ssyncadd.s32 $0xFFFFD800  }
0x28: {  	[hbm4b:s13+s3] =	stream.linear.scatter [tilespmem:s7], [sflag:$0x2], $0x2800, $0x38;
	[tilespmem:$0x2880] =	vst v63  }
0x29: {  	s18 =	smul.u32 $0xA, s17;
	_ =	swait.ge [sflag:s4], $0x2800  }
0x2a: {  	[sflag:s4] =	ssyncset.done $0x0  }
0x2b: {  	s16 =	ssub.s32 $0x2, s16;
	s14 =	sadd.s32 s14, s18;
	[sflag:s4] =	ssyncadd.s32 $0xFFFFD800  }
0x2c: {  	[tilespmem:s3], [sflag:$0x2] =	stream.linear.gather [hbm4b:s14+s3], $0x50, $0x38;
	[tilespmem:$0x2880] =	vst v63  }
0x2d: {  	s31 =	sshrl.u32 s16, $0x1;
	_ =	swait.ge [sflag:s4], $0x50  }
0x2e: {  	s16 =	ssub.s32 s16, s31;
	[sflag:s4] =	ssyncset.done $0x0  }
0x2f: {  	s16 =	smax.u32 s16, $0x1;
	[sflag:s4] =	ssyncadd.s32 $0xFFFFFFB0  }
0x30: {  	[tilespmem:s7], [sflag:$0x1] =	stream.indirect.gather [hbm4b:s1+s6], $0x80, s3, s6, $0xb8;
	[tilespmem:$0x2880] =	vst v63  }
0x31: {  	s17 =	smul.u32 $0x500, s17;
	p0 =	sne.s32 s16, $0x1;
	_ =	swait.ge [sflag:s8], $0x2800  }
.Ltmp0:
0x32: {  	[sflag:s8] =	ssyncset.done $0x0;
	(pc) =	sbr.rel @!p0 .LBB2_2-.Ltmp0, $4  }
0x33: {  	s15 =	sadd.s32 s15, s17;
	[sflag:s8] =	ssyncadd.s32 $0xFFFFD800  }
0x34: {  	[hbm4b:s15+s3] =	stream.linear.scatter [tilespmem:s7], [sflag:$0x2], $0x2800, $0x38;
	[tilespmem:$0x2880] =	vst v63  }
0x35: {  	_ =	swait.ge [sflag:s4], $0x2800  }
0x36: {  	s16 =	sadd.s32 $0xFFFFFFFF, s16;
	[sflag:s4] =	ssyncset.done $0x0  }
.LBB2_1:
0x37: {  	p0 =	sne.s32 s16, $0x1;
	s16 =	sadd.s32 $0xFFFFFFFF, s16;
	[sflag:s4] =	ssyncadd.s32 $0xFFFFD800  }
0x38: {  	[tilespmem:s3], [sflag:$0x2] =	stream.linear.gather [hbm4b:s5+s3], $0x50, $0x38;
	[tilespmem:$0x2880] =	vst v63  }
0x39: {  	_ =	swait.ge [sflag:s4], $0x50  }
0x3a: {  	[sflag:s4] =	ssyncset.done $0x0  }
0x3b: {  	[sflag:s4] =	ssyncadd.s32 $0xFFFFFFB0  }
0x3c: {  	[tilespmem:s7], [sflag:$0x1] =	stream.indirect.gather [hbm4b:s1+s6], $0x80, s3, s6, $0xb8;
	[tilespmem:$0x2880] =	vst v63  }
0x3d: {  	_ =	swait.ge [sflag:s8], $0x2800  }
0x3e: {  	[sflag:s8] =	ssyncset.done $0x0  }
0x3f: {  	[sflag:s8] =	ssyncadd.s32 $0xFFFFD800  }
0x40: {  	[hbm4b:s9+s3] =	stream.linear.scatter [tilespmem:s7], [sflag:$0x2], $0x2800, $0x38;
	[tilespmem:$0x2880] =	vst v63  }
0x41: {  	_ =	swait.ge [sflag:s4], $0x2800  }
0x42: {  	[sflag:s4] =	ssyncset.done $0x0  }
0x43: {  	[sflag:s4] =	ssyncadd.s32 $0xFFFFD800  }
0x44: {  	[tilespmem:s3], [sflag:$0x2] =	stream.linear.gather [hbm4b:s10+s3], $0x50, $0x38;
	[tilespmem:$0x2880] =	vst v63  }
0x45: {  	_ =	swait.ge [sflag:s4], $0x50  }
0x46: {  	[sflag:s4] =	ssyncset.done $0x0  }
0x47: {  	[sflag:s4] =	ssyncadd.s32 $0xFFFFFFB0  }
0x48: {  	[tilespmem:s7], [sflag:$0x1] =	stream.indirect.gather [hbm4b:s1+s6], $0x80, s3, s6, $0xb8;
	[tilespmem:$0x2880] =	vst v63  }
0x49: {  	_ =	swait.ge [sflag:s8], $0x2800  }
0x4a: {  	[sflag:s8] =	ssyncset.done $0x0  }
0x4b: {  	[sflag:s8] =	ssyncadd.s32 $0xFFFFD800  }
0x4c: {  	[hbm4b:s11+s3] =	stream.linear.scatter [tilespmem:s7], [sflag:$0x2], $0x2800, $0x38;
	[tilespmem:$0x2880] =	vst v63  }
0x4d: {  	_ =	swait.ge [sflag:s4], $0x2800  }
0x4e: {  	[sflag:s4] =	ssyncset.done $0x0  }
0x4f: {  	[sflag:s4] =	ssyncadd.s32 $0xFFFFD800  }
0x50: {  	[tilespmem:s3], [sflag:$0x2] =	stream.linear.gather [hbm4b:s12+s3], $0x50, $0x38;
	[tilespmem:$0x2880] =	vst v63  }
0x51: {  	_ =	swait.ge [sflag:s4], $0x50  }
0x52: {  	[sflag:s4] =	ssyncset.done $0x0  }
0x53: {  	[sflag:s4] =	ssyncadd.s32 $0xFFFFFFB0  }
0x54: {  	[tilespmem:s7], [sflag:$0x1] =	stream.indirect.gather [hbm4b:s1+s6], $0x80, s3, s6, $0xb8;
	[tilespmem:$0x2880] =	vst v63  }
0x55: {  	_ =	swait.ge [sflag:s8], $0x2800  }
0x56: {  	[sflag:s8] =	ssyncset.done $0x0  }
0x57: {  	[sflag:s8] =	ssyncadd.s32 $0xFFFFD800  }
0x58: {  	[hbm4b:s13+s3] =	stream.linear.scatter [tilespmem:s7], [sflag:$0x2], $0x2800, $0x38;
	[tilespmem:$0x2880] =	vst v63  }
0x59: {  	_ =	swait.ge [sflag:s4], $0x2800  }
0x5a: {  	[sflag:s4] =	ssyncset.done $0x0  }
0x5b: {  	[sflag:s4] =	ssyncadd.s32 $0xFFFFD800  }
0x5c: {  	[tilespmem:s3], [sflag:$0x2] =	stream.linear.gather [hbm4b:s14+s3], $0x50, $0x38;
	[tilespmem:$0x2880] =	vst v63  }
0x5d: {  	_ =	swait.ge [sflag:s4], $0x50  }
0x5e: {  	[sflag:s4] =	ssyncset.done $0x0  }
0x5f: {  	[sflag:s4] =	ssyncadd.s32 $0xFFFFFFB0  }
0x60: {  	[tilespmem:s7], [sflag:$0x1] =	stream.indirect.gather [hbm4b:s1+s6], $0x80, s3, s6, $0xb8;
	[tilespmem:$0x2880] =	vst v63  }
0x61: {  	_ =	swait.ge [sflag:s8], $0x2800  }
.Ltmp1:
0x62: {  	[sflag:s8] =	ssyncset.done $0x0;
	(pc) =	sbr.rel @p0 .LBB2_1-.Ltmp1, $4  }
0x63: {  	[sflag:s8] =	ssyncadd.s32 $0xFFFFD800  }
0x64: {  	[hbm4b:s15+s3] =	stream.linear.scatter [tilespmem:s7], [sflag:$0x2], $0x2800, $0x38;
	[tilespmem:$0x2880] =	vst v63  }
0x65: {  	_ =	swait.ge [sflag:s4], $0x2800  }
0x66: {  	[sflag:s4] =	ssyncset.done $0x0  }
.LBB2_2:
0x67: {  	[sflag:s4] =	ssyncadd.s32 $0xFFFFD800  }
0x68: {  	_ =	sfence.sel $0x180000  }
0x69: {  	[bflag:$0x0] =	sbarrier.arrive $0xFFFF  }
0x6a: {  	p0 =	sne.s32 s0, $0x0;
	_ =	strace $0x90000047  }
0x6b: {  	s0 =	sadd.s32 @!p0 $0x100000, s2;
	[bflag:$0x2] =	sbarrier.arrive $0xFFFF  }
0x6c: {  	[sflag:s0] =	ssyncadd.tile.s32 @!p0 $0x1;
	_ =	shalt  }
.Lfunc_end2:
_tile_overlayer_lowered:
.L_overlay_start_2:
0x6d: {  	(tag) =	ssettag $0x2  }
0x6e: {  	s0 =	rddreg [dreg:$0x0];
	s2 =	stileid.u32  }
0x6f: {  	s1 =	rddreg [dreg:$0x1];
	p0 =	sne.s32 s2, $0x0  }
0x70: {  	s3 =	rddreg [dreg:$0x2];
	[bflag:$0x3] =	sbarrier.arrive $0xFFFF;
	s2 =	simm.s32 @!p0 $0x1C02  }
0x71: {  	[timem:s3], [sflag:s2] =	dma.local @!p0 [hbm:s0], s1  }
0x72: {  	s0 =	simm.s32 @!p0 $0x2  }
0x73: {  	_ =	swait.ge @!p0 [sflag:s0], s1  }
0x74: {  	s1 =	ssub.s32 @!p0 $0x0, s1;
	[sflag:s0] =	ssyncset.done @!p0 $0x0  }
0x75: {  	[sflag:s0] =	ssyncadd.s32 @!p0 s1  }
0x76: {  	[bflag:$0x3] =	sbarrier.arrive $0xFFFF  }
0x77: {  	_ =	shalt  }

</sc_bundles>
